<compile_context>
chip_gen: v7x
topology: tpu7x:2x2x1
jax: 0.10.2.dev20260603
libtpu: 0.0.44.dev20260713+nightly
codegen_flags: <defaults>
</compile_context>

<pallas_src>
import functools

import numpy as np
import jax
import jax.numpy as jnp
from jax import lax
from jax.experimental import pallas as pl
from jax.experimental.pallas import tpu as pltpu
from jax.experimental.pallas import tpu_sc as plsc

KS = 3
N_REAL = 74 * 74
M_REAL = 5476 + 1369 + 324
NPAD = 5632
MPAD = 7296
QOFF = MPAD
PPAD = MPAD + NPAD
BN = 512
ZERO_ROW = 7200
NW = 32
BPW = NPAD // NW
CH = BPW // 2
ONES_COL = 48


def _gauss1d(sigma, order):
    radius = int(4.0 * sigma + 0.5)
    x = np.arange(-radius, radius + 1, dtype=np.float64)
    phi = np.exp(-0.5 * (x / sigma) ** 2)
    phi = phi / phi.sum()
    if order == 1:
        phi = phi * (-x / (sigma ** 2))
    return phi, radius


def _filt_mat(k, sigma, order):
    w, radius = _gauss1d(sigma, order)
    A = np.zeros((k, k), dtype=np.float64)
    for i in range(k):
        for t in range(-radius, radius + 1):
            j = min(max(i + t, 0), k - 1)
            A[i, j] += w[t + radius]
    return A


def _build_consts():
    a0s = _filt_mat(KS, 1.0, 0)
    a1s = _filt_mat(KS, 1.0, 1)
    a0r = _filt_mat(KS, 10.0, 0)
    mxt = np.kron(a0s, a1s).T
    myt = np.kron(a1s, a0s).T
    mrt = np.kron(a0r, a0r).T
    mx16 = np.zeros((16, 16), np.float32)
    my16 = np.zeros((16, 16), np.float32)
    mx16[0:9, 0:9] = mxt
    my16[0:9, 0:9] = myt
    mra = np.zeros((16, 64), np.float32)
    mrb = np.zeros((16, 64), np.float32)
    mrc = np.zeros((16, 64), np.float32)
    mra[0:9, 0:9] = mrt
    mrb[0:9, 16:25] = mrt
    mrc[0:9, 32:41] = mrt
    return mx16, my16, mra, mrb, mrc


_MX16, _MY16, _MRA, _MRB, _MRC = _build_consts()

def _keys_cubic(x):
    out = ((1.5 * x - 2.5) * x) * x + 1.0
    out = np.where(x >= 1.0, ((-0.5 * x + 2.5) * x - 4.0) * x + 2.0, out)
    return np.where(x >= 2.0, 0.0, out).astype(np.float32)


def _resize_mat(in_size, out_size):
    inv_scale = np.float32(in_size / out_size)
    sample_f = ((np.arange(out_size, dtype=np.float32) + np.float32(0.5))
                * inv_scale - np.float32(0.5))
    x = np.abs(sample_f[None, :]
               - np.arange(in_size, dtype=np.float32)[:, None])
    w = _keys_cubic(x.astype(np.float32))
    total = np.sum(w, axis=0, keepdims=True, dtype=np.float32)
    w = np.where(np.abs(total) > 1000.0 * np.finfo(np.float32).eps,
                 (w / np.where(total != 0, total, 1)).astype(np.float32), 0)
    keep = (sample_f >= -0.5) & (sample_f <= in_size - 0.5)
    return np.where(keep[None, :], w, 0).astype(np.float32)


_R2T = _resize_mat(224, 112)
_R4T = _resize_mat(224, 56)


def _resize_body(g_ref, r2t_ref, r4t_ref, o2_ref, o4_ref):
    g = g_ref[...]
    r2t = r2t_ref[...]
    r4t = r4t_ref[...]
    t2 = jnp.dot(g, r2t, preferred_element_type=jnp.float32)
    t4 = jnp.dot(g, r4t, preferred_element_type=jnp.float32)
    nn = (((0,), (0,)), ((), ()))
    o2_ref[...] = lax.dot_general(r2t, t2, nn,
                                  preferred_element_type=jnp.float32)
    o4_ref[...] = lax.dot_general(r4t, t4, nn,
                                  preferred_element_type=jnp.float32)


def _resize(gray_gt):
    return pl.pallas_call(
        _resize_body,
        out_shape=(jax.ShapeDtypeStruct((112, 112), jnp.float32),
                   jax.ShapeDtypeStruct((56, 56), jnp.float32)),
    )(gray_gt, _R2T, _R4T)


def _patches_body(x_ref, mx_ref, my_ref, ma_ref, mb_ref, mc_ref,
                  o_ref, ct_ref, qs_ref):
    x = x_ref[...]
    ix = jnp.dot(x, mx_ref[...], preferred_element_type=jnp.float32)
    iy = jnp.dot(x, my_ref[...], preferred_element_type=jnp.float32)
    s = (jnp.dot(ix * ix, ma_ref[...], preferred_element_type=jnp.float32)
         + jnp.dot(ix * iy, mb_ref[...], preferred_element_type=jnp.float32)
         + jnp.dot(iy * iy, mc_ref[...], preferred_element_type=jnp.float32))
    c2v = jnp.sum(s * s, axis=1, keepdims=True)
    n = jnp.sqrt(c2v)
    sn = s / jnp.maximum(n, 1e-12)
    c2v = jnp.sum(sn * sn, axis=1, keepdims=True)
    col = lax.broadcasted_iota(jnp.int32, sn.shape, 1)
    o_ref[...] = sn[:, :48]
    rowid = lax.broadcasted_iota(jnp.int32, sn.shape, 0)
    c2m = jnp.where(rowid[:, :1] < M_REAL, c2v, 1e9)
    cpre = jnp.where(col == ONES_COL, c2m, -2.0 * sn)
    cpre = jnp.where(col == ONES_COL + 1, 1.0, cpre)
    ct_ref[...] = jnp.transpose(cpre[:MPAD, :])
    sn1 = jnp.where(col == ONES_COL, 1.0, sn)
    qs = sn1[QOFF:, :] + sn1[:NPAD, :]
    c2q = c2v[QOFF:, :] + c2v[:NPAD, :]
    qcol = lax.broadcasted_iota(jnp.int32, qs.shape, 1)
    qs_ref[...] = jnp.where(qcol == ONES_COL + 1, c2q, qs)


def _patches(x16):
    return pl.pallas_call(
        _patches_body,
        out_shape=(jax.ShapeDtypeStruct((PPAD, 48), jnp.float32),
                   jax.ShapeDtypeStruct((64, MPAD), jnp.float32),
                   jax.ShapeDtypeStruct((NPAD, 64), jnp.float32)),
    )(x16, _MX16, _MY16, _MRA, _MRB, _MRC)


def _knn_body(qs_ref, ct_ref, ind_ref):
    cta = ct_ref[...]

    def blk(i, carry):
        q = qs_ref[pl.ds(i * BN, BN), :]
        score = jnp.dot(q, cta, preferred_element_type=jnp.float32)
        m_ids = lax.broadcasted_iota(jnp.int32, score.shape, 1)
        mn = jnp.min(score, axis=1, keepdims=True)
        ind = jnp.min(jnp.where(score == mn, m_ids, jnp.int32(2 ** 30)),
                      axis=1)
        n_ids = i * BN + lax.iota(jnp.int32, BN)
        ind = jnp.where(n_ids < N_REAL, ind, jnp.int32(ZERO_ROW))
        ind_ref[pl.ds(i * BN, BN)] = ind
        return carry

    lax.fori_loop(0, NPAD // BN, blk, 0)


def _knn(qs, cta):
    return pl.pallas_call(
        _knn_body,
        out_shape=jax.ShapeDtypeStruct((NPAD,), jnp.int32),
    )(qs, cta)


@functools.lru_cache(maxsize=1)
def _get_gather_loss():
    mesh = plsc.VectorSubcoreMesh(core_axis_name="c", subcore_axis_name="s",
                                  num_cores=2, num_subcores=16)

    @functools.partial(
        pl.kernel, mesh=mesh,
        out_type=jax.ShapeDtypeStruct((NW, 16), jnp.float32),
        compiler_params=pltpu.CompilerParams(use_tc_tiling_on_sc=False),
        scratch_types=[
            pltpu.VMEM((2, CH), jnp.int32),
            pltpu.VMEM((CH, 48), jnp.float32),
            pltpu.VMEM((CH, 48), jnp.float32),
            pltpu.VMEM((16,), jnp.float32),
            pltpu.SemaphoreType.DMA,
        ],
    )
    def _gather_loss(feats_hbm, ind_hbm, out_hbm, idx_v, rows_v, p1_v,
                     acc_v, sem):
        wid = lax.axis_index("s") * 2 + lax.axis_index("c")
        pltpu.sync_copy(ind_hbm.at[pl.ds(wid * BPW, CH)], idx_v.at[0])
        pltpu.sync_copy(ind_hbm.at[pl.ds(wid * BPW + CH, CH)], idx_v.at[1])
        acc = jnp.zeros((16,), jnp.float32)
        for j in range(2):
            pltpu.async_copy(feats_hbm.at[idx_v.at[j]], rows_v, sem).wait()
            pltpu.sync_copy(
                feats_hbm.at[pl.ds(QOFF + wid * BPW + j * CH, CH)], p1_v)

            def row_body(r, s):
                for c in range(3):
                    a = p1_v[r, pl.ds(16 * c, 16)]
                    g = rows_v[r, pl.ds(16 * c, 16)]
                    s = s + jnp.abs(a - g)
                return s

            acc = lax.fori_loop(0, CH, row_body, acc)
        acc_v[...] = acc
        pltpu.sync_copy(acc_v, out_hbm.at[wid])

    return _gather_loss


def _patch9(img):
    h, w = img.shape
    nh, nw = h // KS, w // KS
    v = img[:nh * KS, :nw * KS]
    v = v.reshape(nh, KS, nw, KS).transpose(0, 2, 1, 3)
    return v.reshape(nh * nw, KS * KS)


def _gray(img):
    return (0.2989 * img[0, 0] + 0.587 * img[0, 1] + 0.114 * img[0, 2])


def kernel(x, gt):
    gx = _gray(x)
    gg = _gray(gt)
    g2, g4 = _resize(gg)
    px9 = jnp.concatenate([
        _patch9(gg), _patch9(g2), _patch9(g4),
        jnp.zeros((MPAD - M_REAL, 9), jnp.float32),
        _patch9(gx),
        jnp.zeros((PPAD - QOFF - N_REAL, 9), jnp.float32),
    ], axis=0)
    px16 = jnp.pad(px9, ((0, 0), (0, 16 - KS * KS)))
    feats, cta, qs = _patches(px16)
    ind = _knn(qs, cta)
    partial = _get_gather_loss()(feats, ind)
    return jnp.sum(partial) / jnp.float32(N_REAL * 27)

# --- scband reference (transcript-rebuilt; emitter-appended) ---
"""Pipeline reference for scband-patchwise-structure-tensor-loss-2035814499040 (READ-ONLY COPY).

The authoritative reference and input builder live on the scoring server;
editing this copy changes nothing except your own understanding.
"""

import jax, jax.numpy as jnp
import numpy as np

KSIZE = 3
SIGMA = 1.0
RHO = 10.0
ALPHA = 1.0
BETA = 1.0


def _gauss_kernel1d(sigma, order):
    radius = int(4.0 * sigma + 0.5)
    x = np.arange(-radius, radius + 1, dtype=np.float64)
    phi = np.exp(-0.5 * (x / sigma) ** 2)
    phi = phi / phi.sum()
    if order == 1:
        phi = phi * (-x / (sigma ** 2))
    return phi, radius


def _filter_matrix(k, sigma, order):
    # 1D gaussian (or gaussian-derivative) filtering of a length-k signal with
    # edge ('nearest') padding is a fixed k x k linear map; build it with numpy.
    w, radius = _gauss_kernel1d(sigma, order)
    A = np.zeros((k, k), dtype=np.float64)
    for i in range(k):
        for t in range(-radius, radius + 1):
            j = min(max(i + t, 0), k - 1)
            A[i, j] += w[t + radius]
    return jnp.asarray(A, dtype=jnp.float32)


def _structure_tensor_norm(gray):
    # gray: [P, k, k] batch of grayscale patches
    k = gray.shape[-1]
    A0s = _filter_matrix(k, SIGMA, 0)
    A1s = _filter_matrix(k, SIGMA, 1)
    A0r = _filter_matrix(k, RHO, 0)

    def filt(p, Ar, Ac):
        # apply Ar along rows and Ac along cols for every patch
        return jnp.einsum('ab,pbc,dc->pad', Ar, p, Ac)

    Ix = filt(gray, A0s, A1s)
    Iy = filt(gray, A1s, A0s)
    Jxx = filt(Ix * Ix, A0r, A0r)
    Jxy = filt(Ix * Iy, A0r, A0r)
    Jyy = filt(Iy * Iy, A0r, A0r)
    S = jnp.stack([Jxx, Jxy, Jyy], axis=1)  # [P, 3, k, k]
    n = jnp.sqrt(jnp.sum(S * S, axis=(1, 2, 3), keepdims=True))
    return S / jnp.maximum(n, 1e-12)


def _compute_patches(x):
    # x: [B, 3, H, W] -> [B, N, 3*k*k] of per-patch normalized structure tensors
    B, C, H, W = x.shape
    k = KSIZE
    nH, nW = H // k, W // k
    x = x[:, :, :nH * k, :nW * k]
    x = x.reshape(B, C, nH, k, nW, k).transpose(0, 2, 4, 1, 3, 5)
    x = x.reshape(B * nH * nW, C, k, k)
    gray = 0.2989 * x[:, 0] + 0.587 * x[:, 1] + 0.114 * x[:, 2]  # [P, k, k]
    S = _structure_tensor_norm(gray)
    return S.reshape(B, nH * nW, 3 * k * k)


def _batch_pairwise_distance(x, y):
    # squared-L2 pairwise distance: [B,N,d] x [B,M,d] -> [B,N,M]
    x2 = jnp.sum(x * x, axis=-1)[:, :, None]
    y2 = jnp.sum(y * y, axis=-1)[:, None, :]
    d = x2 + y2 - 2.0 * jnp.einsum('bnd,bmd->bnm', x, y)
    return jnp.maximum(d, 0.0)


def _forward(x, gt):
    B, C, H, W = gt.shape
    p1 = _compute_patches(x)
    p2 = _compute_patches(gt)
    gt_2 = jax.image.resize(gt, (B, C, H // 2, W // 2), method='cubic', antialias=False)
    p2_2 = _compute_patches(gt_2)
    gt_4 = jax.image.resize(gt, (B, C, H // 4, W // 4), method='cubic', antialias=False)
    p2_4 = _compute_patches(gt_4)
    p2_cat = jnp.concatenate([p2, p2_2, p2_4], axis=1)
    score = ALPHA * _batch_pairwise_distance(p1, p2_cat) + BETA * _batch_pairwise_distance(p2, p2_cat)
    ind = jnp.argmin(score, axis=2)  # [B, N] nearest-neighbor retrieval
    sel_p2 = jnp.take_along_axis(p2_cat, ind[:, :, None], axis=1)
    return jnp.mean(jnp.abs(p1 - sel_p2))


def setup_inputs(seed: int = 0) -> dict:
    key = jax.random.key(seed)
    k1, k2 = jax.random.split(key)
    x = jax.random.uniform(k1, (1, 3, 224, 224), dtype=jnp.float32)
    gt = jax.random.uniform(k2, (1, 3, 224, 224), dtype=jnp.float32)
    return {"x": x, "gt": gt}


def reference(x, gt):
    return _forward(x, gt)

if __name__ == "__main__":
    import jax
    _d = setup_inputs()
    print(jax.jit(kernel)(*tuple(_d.values())))

</pallas_src>

<mosaic_0001>
#map = affine_map<(d0, d1) -> (0, 0)>
#map1 = affine_map<(d0, d1) -> (0)>
module attributes {stable_mosaic.version = 14 : i64} {
  func.func @_gather_loss(%arg0: i32, %arg1: i32, %arg2: memref<12928x48xf32, #tpu.memory_space<hbm>>, %arg3: memref<5632xi32, #tpu.memory_space<hbm>>, %arg4: memref<32x16xf32, #tpu.memory_space<hbm>>, %arg5: memref<2x88xi32, #tpu.memory_space<vmem>>, %arg6: memref<88x48xf32, #tpu.memory_space<vmem>>, %arg7: memref<88x48xf32, #tpu.memory_space<vmem>>, %arg8: memref<16xf32, #tpu.memory_space<vmem>>, %arg9: memref<!tpu.dma_semaphore, #tpu.memory_space<semaphore_mem>>) attributes {dimension_semantics = [#tpu.dimension_semantics<core_parallel>, #tpu.dimension_semantics<subcore_parallel>], iteration_bounds = array<i64: 2, 16>, scalar_prefetch = 0 : i64, scratch_operands = 5 : i64, tpu.core_type = #tpu.core_type<sc_vector_subcore>, window_params = [{transform_indices = #map}, {transform_indices = #map1}, {transform_indices = #map}]} {
    %mul3A = arith.constant 2 : i32
    %mul3A_0 = arith.muli %arg1, %mul3A : i32
    %add3A = arith.addi %mul3A_0, %arg0 : i32
    %mul3A_1 = arith.constant 176 : i32
    %mul3A_2 = arith.muli %add3A, %mul3A_1 : i32
    %run_scoped3A = arith.constant 0 : i32
    "tpu.region"() ({
      %run_scoped3A_61 = tpu.sem_alloc : memref<!tpu.dma_semaphore, #tpu.memory_space<semaphore_mem>>
      %dma_start3A_62 = arith.constant 0 : i32
      %dma_start3A_63 = tpu.memref_slice %arg5[%run_scoped3A, %dma_start3A_62] : memref<2x88xi32, #tpu.memory_space<vmem>> -> memref<1x88xi32, #tpu.memory_space<vmem>>
      %dma_start3A_64 = tpu.memref_squeeze %dma_start3A_63 : memref<1x88xi32, #tpu.memory_space<vmem>> -> memref<88xi32, #tpu.memory_space<vmem>>
      %dma_start3A_65 = tpu.memref_slice %arg3[%mul3A_2] : memref<5632xi32, #tpu.memory_space<hbm>> -> memref<88xi32, #tpu.memory_space<hbm>>
      %dma_start3A_66 = arith.constant 0 : i32
      %dma_start3A_67 = tpu.memref_slice %arg5[%run_scoped3A, %dma_start3A_66] : memref<2x88xi32, #tpu.memory_space<vmem>> -> memref<1x88xi32, #tpu.memory_space<vmem>>
      %dma_start3A_68 = tpu.memref_squeeze %dma_start3A_67 : memref<1x88xi32, #tpu.memory_space<vmem>> -> memref<88xi32, #tpu.memory_space<vmem>>
      %dma_start3A_69 = tpu.memref_slice %arg3[%mul3A_2] : memref<5632xi32, #tpu.memory_space<hbm>> -> memref<88xi32, #tpu.memory_space<hbm>>
      tpu.enqueue_dma source(%dma_start3A_69 : memref<88xi32, #tpu.memory_space<hbm>>) target(%dma_start3A_68 : memref<88xi32, #tpu.memory_space<vmem>>) target_semaphore(%run_scoped3A_61 : memref<!tpu.dma_semaphore, #tpu.memory_space<semaphore_mem>>)
      %dma_wait3A_70 = arith.constant 0 : i32
      %dma_wait3A_71 = tpu.memref_slice %arg5[%run_scoped3A, %dma_wait3A_70] : memref<2x88xi32, #tpu.memory_space<vmem>> -> memref<1x88xi32, #tpu.memory_space<vmem>>
      %dma_wait3A_72 = tpu.memref_squeeze %dma_wait3A_71 : memref<1x88xi32, #tpu.memory_space<vmem>> -> memref<88xi32, #tpu.memory_space<vmem>>
      %dma_wait3A_73 = tpu.memref_slice %arg3[%mul3A_2] : memref<5632xi32, #tpu.memory_space<hbm>> -> memref<88xi32, #tpu.memory_space<hbm>>
      %dma_wait3A_74 = arith.constant 0 : i32
      %dma_wait3A_75 = tpu.memref_slice %arg5[%run_scoped3A, %dma_wait3A_74] : memref<2x88xi32, #tpu.memory_space<vmem>> -> memref<1x88xi32, #tpu.memory_space<vmem>>
      %dma_wait3A_76 = tpu.memref_squeeze %dma_wait3A_75 : memref<1x88xi32, #tpu.memory_space<vmem>> -> memref<88xi32, #tpu.memory_space<vmem>>
      %dma_wait3A_77 = tpu.memref_slice %arg3[%mul3A_2] : memref<5632xi32, #tpu.memory_space<hbm>> -> memref<88xi32, #tpu.memory_space<hbm>>
      tpu.wait_dma2 semaphore(%run_scoped3A_61 : memref<!tpu.dma_semaphore, #tpu.memory_space<semaphore_mem>>) src(%dma_wait3A_77 : memref<88xi32, #tpu.memory_space<hbm>>) dst(%dma_wait3A_76 : memref<88xi32, #tpu.memory_space<vmem>>)
      tpu.yield
    }) : () -> ()
    %mul3A_3 = arith.constant 176 : i32
    %mul3A_4 = arith.muli %add3A, %mul3A_3 : i32
    %add3A_5 = arith.constant 88 : i32
    %add3A_6 = arith.addi %mul3A_4, %add3A_5 : i32
    %run_scoped3A_7 = arith.constant 1 : i32
    "tpu.region"() ({
      %run_scoped3A_61 = tpu.sem_alloc : memref<!tpu.dma_semaphore, #tpu.memory_space<semaphore_mem>>
      %dma_start3A_62 = arith.constant 0 : i32
      %dma_start3A_63 = tpu.memref_slice %arg5[%run_scoped3A_7, %dma_start3A_62] : memref<2x88xi32, #tpu.memory_space<vmem>> -> memref<1x88xi32, #tpu.memory_space<vmem>>
      %dma_start3A_64 = tpu.memref_squeeze %dma_start3A_63 : memref<1x88xi32, #tpu.memory_space<vmem>> -> memref<88xi32, #tpu.memory_space<vmem>>
      %dma_start3A_65 = tpu.memref_slice %arg3[%add3A_6] : memref<5632xi32, #tpu.memory_space<hbm>> -> memref<88xi32, #tpu.memory_space<hbm>>
      %dma_start3A_66 = arith.constant 0 : i32
      %dma_start3A_67 = tpu.memref_slice %arg5[%run_scoped3A_7, %dma_start3A_66] : memref<2x88xi32, #tpu.memory_space<vmem>> -> memref<1x88xi32, #tpu.memory_space<vmem>>
      %dma_start3A_68 = tpu.memref_squeeze %dma_start3A_67 : memref<1x88xi32, #tpu.memory_space<vmem>> -> memref<88xi32, #tpu.memory_space<vmem>>
      %dma_start3A_69 = tpu.memref_slice %arg3[%add3A_6] : memref<5632xi32, #tpu.memory_space<hbm>> -> memref<88xi32, #tpu.memory_space<hbm>>
      tpu.enqueue_dma source(%dma_start3A_69 : memref<88xi32, #tpu.memory_space<hbm>>) target(%dma_start3A_68 : memref<88xi32, #tpu.memory_space<vmem>>) target_semaphore(%run_scoped3A_61 : memref<!tpu.dma_semaphore, #tpu.memory_space<semaphore_mem>>)
      %dma_wait3A_70 = arith.constant 0 : i32
      %dma_wait3A_71 = tpu.memref_slice %arg5[%run_scoped3A_7, %dma_wait3A_70] : memref<2x88xi32, #tpu.memory_space<vmem>> -> memref<1x88xi32, #tpu.memory_space<vmem>>
      %dma_wait3A_72 = tpu.memref_squeeze %dma_wait3A_71 : memref<1x88xi32, #tpu.memory_space<vmem>> -> memref<88xi32, #tpu.memory_space<vmem>>
      %dma_wait3A_73 = tpu.memref_slice %arg3[%add3A_6] : memref<5632xi32, #tpu.memory_space<hbm>> -> memref<88xi32, #tpu.memory_space<hbm>>
      %dma_wait3A_74 = arith.constant 0 : i32
      %dma_wait3A_75 = tpu.memref_slice %arg5[%run_scoped3A_7, %dma_wait3A_74] : memref<2x88xi32, #tpu.memory_space<vmem>> -> memref<1x88xi32, #tpu.memory_space<vmem>>
      %dma_wait3A_76 = tpu.memref_squeeze %dma_wait3A_75 : memref<1x88xi32, #tpu.memory_space<vmem>> -> memref<88xi32, #tpu.memory_space<vmem>>
      %dma_wait3A_77 = tpu.memref_slice %arg3[%add3A_6] : memref<5632xi32, #tpu.memory_space<hbm>> -> memref<88xi32, #tpu.memory_space<hbm>>
      tpu.wait_dma2 semaphore(%run_scoped3A_61 : memref<!tpu.dma_semaphore, #tpu.memory_space<semaphore_mem>>) src(%dma_wait3A_77 : memref<88xi32, #tpu.memory_space<hbm>>) dst(%dma_wait3A_76 : memref<88xi32, #tpu.memory_space<vmem>>)
      tpu.yield
    }) : () -> ()
    %broadcast_in_dim3A = arith.constant 0.000000e+00 : f32
    %broadcast_in_dim3A_8 = vector.broadcast %broadcast_in_dim3A : f32 to vector<16xf32>
    %dma_start3A = arith.constant 0 : i32
    %dma_start3A_9 = arith.constant 0 : i32
    %dma_start3A_10 = tpu.memref_slice %arg5[%dma_start3A, %dma_start3A_9] : memref<2x88xi32, #tpu.memory_space<vmem>> -> memref<1x88xi32, #tpu.memory_space<vmem>>
    %dma_start3A_11 = tpu.memref_squeeze %dma_start3A_10 : memref<1x88xi32, #tpu.memory_space<vmem>> -> memref<88xi32, #tpu.memory_space<vmem>>
    %dma_start3A_12 = arith.constant 0 : i32
    %dma_start3A_13 = arith.constant 0 : i32
    %dma_start3A_14 = tpu.memref_slice %arg2[%dma_start3A_12, %dma_start3A_13] : memref<12928x48xf32, #tpu.memory_space<hbm>> -> memref<12928x48xf32, #tpu.memory_space<hbm>>
    tpu.enqueue_indirect_dma source(%dma_start3A_14 : memref<12928x48xf32, #tpu.memory_space<hbm>>) target(%arg6 : memref<88x48xf32, #tpu.memory_space<vmem>>) offsets(%dma_start3A_11 : memref<88xi32, #tpu.memory_space<vmem>>) semaphore(%arg9 : memref<!tpu.dma_semaphore, #tpu.memory_space<semaphore_mem>>)
    %dma_wait3A = arith.constant 0 : i32
    %dma_wait3A_15 = arith.constant 0 : i32
    %dma_wait3A_16 = tpu.memref_slice %arg5[%dma_wait3A, %dma_wait3A_15] : memref<2x88xi32, #tpu.memory_space<vmem>> -> memref<1x88xi32, #tpu.memory_space<vmem>>
    %dma_wait3A_17 = tpu.memref_squeeze %dma_wait3A_16 : memref<1x88xi32, #tpu.memory_space<vmem>> -> memref<88xi32, #tpu.memory_space<vmem>>
    %dma_wait3A_18 = arith.constant 0 : i32
    %dma_wait3A_19 = arith.constant 0 : i32
    %dma_wait3A_20 = tpu.memref_slice %arg2[%dma_wait3A_18, %dma_wait3A_19] : memref<12928x48xf32, #tpu.memory_space<hbm>> -> memref<12928x48xf32, #tpu.memory_space<hbm>>
    tpu.wait_indirect_dma semaphore(%arg9 : memref<!tpu.dma_semaphore, #tpu.memory_space<semaphore_mem>>) src(%dma_wait3A_20 : memref<12928x48xf32, #tpu.memory_space<hbm>>) dst(%arg6 : memref<88x48xf32, #tpu.memory_space<vmem>>)
    %mul3A_21 = arith.constant 176 : i32
    %mul3A_22 = arith.muli %add3A, %mul3A_21 : i32
    %add3A_23 = arith.constant 7296 : i32
    %add3A_24 = arith.addi %add3A_23, %mul3A_22 : i32
    %add3A_25 = arith.constant 0 : i32
    %add3A_26 = arith.addi %add3A_24, %add3A_25 : i32
    "tpu.region"() ({
      %run_scoped3A_61 = tpu.sem_alloc : memref<!tpu.dma_semaphore, #tpu.memory_space<semaphore_mem>>
      %dma_start3A_62 = arith.constant 0 : i32
      %dma_start3A_63 = tpu.memref_slice %arg2[%add3A_26, %dma_start3A_62] : memref<12928x48xf32, #tpu.memory_space<hbm>> -> memref<88x48xf32, #tpu.memory_space<hbm>>
      %dma_start3A_64 = arith.constant 0 : i32
      %dma_start3A_65 = tpu.memref_slice %arg2[%add3A_26, %dma_start3A_64] : memref<12928x48xf32, #tpu.memory_space<hbm>> -> memref<88x48xf32, #tpu.memory_space<hbm>>
      tpu.enqueue_dma source(%dma_start3A_65 : memref<88x48xf32, #tpu.memory_space<hbm>>) target(%arg7 : memref<88x48xf32, #tpu.memory_space<vmem>>) target_semaphore(%run_scoped3A_61 : memref<!tpu.dma_semaphore, #tpu.memory_space<semaphore_mem>>)
      %dma_wait3A_66 = arith.constant 0 : i32
      %dma_wait3A_67 = tpu.memref_slice %arg2[%add3A_26, %dma_wait3A_66] : memref<12928x48xf32, #tpu.memory_space<hbm>> -> memref<88x48xf32, #tpu.memory_space<hbm>>
      %dma_wait3A_68 = arith.constant 0 : i32
      %dma_wait3A_69 = tpu.memref_slice %arg2[%add3A_26, %dma_wait3A_68] : memref<12928x48xf32, #tpu.memory_space<hbm>> -> memref<88x48xf32, #tpu.memory_space<hbm>>
      tpu.wait_dma2 semaphore(%run_scoped3A_61 : memref<!tpu.dma_semaphore, #tpu.memory_space<semaphore_mem>>) src(%dma_wait3A_69 : memref<88x48xf32, #tpu.memory_space<hbm>>) dst(%arg7 : memref<88x48xf32, #tpu.memory_space<vmem>>)
      tpu.yield
    }) : () -> ()
    %scan3A = arith.constant 0 : i32
    %scan3A_27 = arith.constant 88 : i32
    %scan3A_28 = arith.addi %scan3A, %scan3A_27 : i32
    %scan3A_29 = arith.constant 1 : i32
    %scan3A_30 = scf.for %scan3A_61 = %scan3A to %scan3A_28 step %scan3A_29 iter_args(%scan3A_62 = %broadcast_in_dim3A_8) -> (vector<16xf32>)  : i32 {
      %get3A = arith.index_cast %scan3A_61 : i32 to index
      %get3A_63 = arith.constant 0 : index
      %get3A_64 = tpu.vector_load %arg7[%get3A, %get3A_63] {strides = array<i32>} : memref<88x48xf32, #tpu.memory_space<vmem>>, vector<1x16xf32>,
      %get3A_65 = vector.shape_cast %get3A_64 : vector<1x16xf32> to vector<16xf32>
      %get3A_66 = arith.index_cast %scan3A_61 : i32 to index
      %get3A_67 = arith.constant 0 : index
      %get3A_68 = tpu.vector_load %arg6[%get3A_66, %get3A_67] {strides = array<i32>} : memref<88x48xf32, #tpu.memory_space<vmem>>, vector<1x16xf32>,
      %get3A_69 = vector.shape_cast %get3A_68 : vector<1x16xf32> to vector<16xf32>
      %sub3A = arith.subf %get3A_65, %get3A_69 : vector<16xf32>
      %abs3A = math.absf %sub3A : vector<16xf32>
      %add3A_70 = arith.addf %scan3A_62, %abs3A : vector<16xf32>
      %get3A_71 = arith.index_cast %scan3A_61 : i32 to index
      %get3A_72 = arith.constant 16 : index
      %get3A_73 = tpu.vector_load %arg7[%get3A_71, %get3A_72] {strides = array<i32>} : memref<88x48xf32, #tpu.memory_space<vmem>>, vector<1x16xf32>,
      %get3A_74 = vector.shape_cast %get3A_73 : vector<1x16xf32> to vector<16xf32>
      %get3A_75 = arith.index_cast %scan3A_61 : i32 to index
      %get3A_76 = arith.constant 16 : index
      %get3A_77 = tpu.vector_load %arg6[%get3A_75, %get3A_76] {strides = array<i32>} : memref<88x48xf32, #tpu.memory_space<vmem>>, vector<1x16xf32>,
      %get3A_78 = vector.shape_cast %get3A_77 : vector<1x16xf32> to vector<16xf32>
      %sub3A_79 = arith.subf %get3A_74, %get3A_78 : vector<16xf32>
      %abs3A_80 = math.absf %sub3A_79 : vector<16xf32>
      %add3A_81 = arith.addf %add3A_70, %abs3A_80 : vector<16xf32>
      %get3A_82 = arith.index_cast %scan3A_61 : i32 to index
      %get3A_83 = arith.constant 32 : index
      %get3A_84 = tpu.vector_load %arg7[%get3A_82, %get3A_83] {strides = array<i32>} : memref<88x48xf32, #tpu.memory_space<vmem>>, vector<1x16xf32>,
      %get3A_85 = vector.shape_cast %get3A_84 : vector<1x16xf32> to vector<16xf32>
      %get3A_86 = arith.index_cast %scan3A_61 : i32 to index
      %get3A_87 = arith.constant 32 : index
      %get3A_88 = tpu.vector_load %arg6[%get3A_86, %get3A_87] {strides = array<i32>} : memref<88x48xf32, #tpu.memory_space<vmem>>, vector<1x16xf32>,
      %get3A_89 = vector.shape_cast %get3A_88 : vector<1x16xf32> to vector<16xf32>
      %sub3A_90 = arith.subf %get3A_85, %get3A_89 : vector<16xf32>
      %abs3A_91 = math.absf %sub3A_90 : vector<16xf32>
      %add3A_92 = arith.addf %add3A_81, %abs3A_91 : vector<16xf32>
      scf.yield %add3A_92 : vector<16xf32>
    }
    %scan3A_31 = arith.constant 88 : i32
    %dma_start3A_32 = arith.constant 1 : i32
    %dma_start3A_33 = arith.constant 0 : i32
    %dma_start3A_34 = tpu.memref_slice %arg5[%dma_start3A_32, %dma_start3A_33] : memref<2x88xi32, #tpu.memory_space<vmem>> -> memref<1x88xi32, #tpu.memory_space<vmem>>
    %dma_start3A_35 = tpu.memref_squeeze %dma_start3A_34 : memref<1x88xi32, #tpu.memory_space<vmem>> -> memref<88xi32, #tpu.memory_space<vmem>>
    %dma_start3A_36 = arith.constant 0 : i32
    %dma_start3A_37 = arith.constant 0 : i32
    %dma_start3A_38 = tpu.memref_slice %arg2[%dma_start3A_36, %dma_start3A_37] : memref<12928x48xf32, #tpu.memory_space<hbm>> -> memref<12928x48xf32, #tpu.memory_space<hbm>>
    tpu.enqueue_indirect_dma source(%dma_start3A_38 : memref<12928x48xf32, #tpu.memory_space<hbm>>) target(%arg6 : memref<88x48xf32, #tpu.memory_space<vmem>>) offsets(%dma_start3A_35 : memref<88xi32, #tpu.memory_space<vmem>>) semaphore(%arg9 : memref<!tpu.dma_semaphore, #tpu.memory_space<semaphore_mem>>)
    %dma_wait3A_39 = arith.constant 1 : i32
    %dma_wait3A_40 = arith.constant 0 : i32
    %dma_wait3A_41 = tpu.memref_slice %arg5[%dma_wait3A_39, %dma_wait3A_40] : memref<2x88xi32, #tpu.memory_space<vmem>> -> memref<1x88xi32, #tpu.memory_space<vmem>>
    %dma_wait3A_42 = tpu.memref_squeeze %dma_wait3A_41 : memref<1x88xi32, #tpu.memory_space<vmem>> -> memref<88xi32, #tpu.memory_space<vmem>>
    %dma_wait3A_43 = arith.constant 0 : i32
    %dma_wait3A_44 = arith.constant 0 : i32
    %dma_wait3A_45 = tpu.memref_slice %arg2[%dma_wait3A_43, %dma_wait3A_44] : memref<12928x48xf32, #tpu.memory_space<hbm>> -> memref<12928x48xf32, #tpu.memory_space<hbm>>
    tpu.wait_indirect_dma semaphore(%arg9 : memref<!tpu.dma_semaphore, #tpu.memory_space<semaphore_mem>>) src(%dma_wait3A_45 : memref<12928x48xf32, #tpu.memory_space<hbm>>) dst(%arg6 : memref<88x48xf32, #tpu.memory_space<vmem>>)
    %mul3A_46 = arith.constant 176 : i32
    %mul3A_47 = arith.muli %add3A, %mul3A_46 : i32
    %add3A_48 = arith.constant 7296 : i32
    %add3A_49 = arith.addi %add3A_48, %mul3A_47 : i32
    %add3A_50 = arith.constant 88 : i32
    %add3A_51 = arith.addi %add3A_49, %add3A_50 : i32
    "tpu.region"() ({
      %run_scoped3A_61 = tpu.sem_alloc : memref<!tpu.dma_semaphore, #tpu.memory_space<semaphore_mem>>
      %dma_start3A_62 = arith.constant 0 : i32
      %dma_start3A_63 = tpu.memref_slice %arg2[%add3A_51, %dma_start3A_62] : memref<12928x48xf32, #tpu.memory_space<hbm>> -> memref<88x48xf32, #tpu.memory_space<hbm>>
      %dma_start3A_64 = arith.constant 0 : i32
      %dma_start3A_65 = tpu.memref_slice %arg2[%add3A_51, %dma_start3A_64] : memref<12928x48xf32, #tpu.memory_space<hbm>> -> memref<88x48xf32, #tpu.memory_space<hbm>>
      tpu.enqueue_dma source(%dma_start3A_65 : memref<88x48xf32, #tpu.memory_space<hbm>>) target(%arg7 : memref<88x48xf32, #tpu.memory_space<vmem>>) target_semaphore(%run_scoped3A_61 : memref<!tpu.dma_semaphore, #tpu.memory_space<semaphore_mem>>)
      %dma_wait3A_66 = arith.constant 0 : i32
      %dma_wait3A_67 = tpu.memref_slice %arg2[%add3A_51, %dma_wait3A_66] : memref<12928x48xf32, #tpu.memory_space<hbm>> -> memref<88x48xf32, #tpu.memory_space<hbm>>
      %dma_wait3A_68 = arith.constant 0 : i32
      %dma_wait3A_69 = tpu.memref_slice %arg2[%add3A_51, %dma_wait3A_68] : memref<12928x48xf32, #tpu.memory_space<hbm>> -> memref<88x48xf32, #tpu.memory_space<hbm>>
      tpu.wait_dma2 semaphore(%run_scoped3A_61 : memref<!tpu.dma_semaphore, #tpu.memory_space<semaphore_mem>>) src(%dma_wait3A_69 : memref<88x48xf32, #tpu.memory_space<hbm>>) dst(%arg7 : memref<88x48xf32, #tpu.memory_space<vmem>>)
      tpu.yield
    }) : () -> ()
    %scan3A_52 = arith.constant 0 : i32
    %scan3A_53 = arith.constant 88 : i32
    %scan3A_54 = arith.addi %scan3A_52, %scan3A_53 : i32
    %scan3A_55 = arith.constant 1 : i32
    %scan3A_56 = scf.for %scan3A_61 = %scan3A_52 to %scan3A_54 step %scan3A_55 iter_args(%scan3A_62 = %scan3A_30) -> (vector<16xf32>)  : i32 {
      %get3A = arith.index_cast %scan3A_61 : i32 to index
      %get3A_63 = arith.constant 0 : index
      %get3A_64 = tpu.vector_load %arg7[%get3A, %get3A_63] {strides = array<i32>} : memref<88x48xf32, #tpu.memory_space<vmem>>, vector<1x16xf32>,
      %get3A_65 = vector.shape_cast %get3A_64 : vector<1x16xf32> to vector<16xf32>
      %get3A_66 = arith.index_cast %scan3A_61 : i32 to index
      %get3A_67 = arith.constant 0 : index
      %get3A_68 = tpu.vector_load %arg6[%get3A_66, %get3A_67] {strides = array<i32>} : memref<88x48xf32, #tpu.memory_space<vmem>>, vector<1x16xf32>,
      %get3A_69 = vector.shape_cast %get3A_68 : vector<1x16xf32> to vector<16xf32>
      %sub3A = arith.subf %get3A_65, %get3A_69 : vector<16xf32>
      %abs3A = math.absf %sub3A : vector<16xf32>
      %add3A_70 = arith.addf %scan3A_62, %abs3A : vector<16xf32>
      %get3A_71 = arith.index_cast %scan3A_61 : i32 to index
      %get3A_72 = arith.constant 16 : index
      %get3A_73 = tpu.vector_load %arg7[%get3A_71, %get3A_72] {strides = array<i32>} : memref<88x48xf32, #tpu.memory_space<vmem>>, vector<1x16xf32>,
      %get3A_74 = vector.shape_cast %get3A_73 : vector<1x16xf32> to vector<16xf32>
      %get3A_75 = arith.index_cast %scan3A_61 : i32 to index
      %get3A_76 = arith.constant 16 : index
      %get3A_77 = tpu.vector_load %arg6[%get3A_75, %get3A_76] {strides = array<i32>} : memref<88x48xf32, #tpu.memory_space<vmem>>, vector<1x16xf32>,
      %get3A_78 = vector.shape_cast %get3A_77 : vector<1x16xf32> to vector<16xf32>
      %sub3A_79 = arith.subf %get3A_74, %get3A_78 : vector<16xf32>
      %abs3A_80 = math.absf %sub3A_79 : vector<16xf32>
      %add3A_81 = arith.addf %add3A_70, %abs3A_80 : vector<16xf32>
      %get3A_82 = arith.index_cast %scan3A_61 : i32 to index
      %get3A_83 = arith.constant 32 : index
      %get3A_84 = tpu.vector_load %arg7[%get3A_82, %get3A_83] {strides = array<i32>} : memref<88x48xf32, #tpu.memory_space<vmem>>, vector<1x16xf32>,
      %get3A_85 = vector.shape_cast %get3A_84 : vector<1x16xf32> to vector<16xf32>
      %get3A_86 = arith.index_cast %scan3A_61 : i32 to index
      %get3A_87 = arith.constant 32 : index
      %get3A_88 = tpu.vector_load %arg6[%get3A_86, %get3A_87] {strides = array<i32>} : memref<88x48xf32, #tpu.memory_space<vmem>>, vector<1x16xf32>,
      %get3A_89 = vector.shape_cast %get3A_88 : vector<1x16xf32> to vector<16xf32>
      %sub3A_90 = arith.subf %get3A_85, %get3A_89 : vector<16xf32>
      %abs3A_91 = math.absf %sub3A_90 : vector<16xf32>
      %add3A_92 = arith.addf %add3A_81, %abs3A_91 : vector<16xf32>
      scf.yield %add3A_92 : vector<16xf32>
    }
    %scan3A_57 = arith.constant 88 : i32
    %swap3A = arith.constant 0 : index
    %swap3A_58 = tpu.vector_load %arg8[%swap3A] {strides = array<i32>} : memref<16xf32, #tpu.memory_space<vmem>>, vector<16xf32>,
    %swap3A_59 = vector.shape_cast %swap3A_58 : vector<16xf32> to vector<16xf32>
    %swap3A_60 = vector.shape_cast %scan3A_56 : vector<16xf32> to vector<16xf32>
    tpu.vector_store %arg8[%swap3A], %swap3A_60 {strides = array<i32>} : memref<16xf32, #tpu.memory_space<vmem>>, vector<16xf32>,
    "tpu.region"() ({
      %run_scoped3A_61 = tpu.sem_alloc : memref<!tpu.dma_semaphore, #tpu.memory_space<semaphore_mem>>
      %dma_start3A_62 = arith.constant 0 : i32
      %dma_start3A_63 = tpu.memref_slice %arg4[%add3A, %dma_start3A_62] : memref<32x16xf32, #tpu.memory_space<hbm>> -> memref<1x16xf32, #tpu.memory_space<hbm>>
      %dma_start3A_64 = tpu.memref_squeeze %dma_start3A_63 : memref<1x16xf32, #tpu.memory_space<hbm>> -> memref<16xf32, #tpu.memory_space<hbm>>
      %dma_start3A_65 = arith.constant 0 : i32
      %dma_start3A_66 = tpu.memref_slice %arg4[%add3A, %dma_start3A_65] : memref<32x16xf32, #tpu.memory_space<hbm>> -> memref<1x16xf32, #tpu.memory_space<hbm>>
      %dma_start3A_67 = tpu.memref_squeeze %dma_start3A_66 : memref<1x16xf32, #tpu.memory_space<hbm>> -> memref<16xf32, #tpu.memory_space<hbm>>
      tpu.enqueue_dma source(%arg8 : memref<16xf32, #tpu.memory_space<vmem>>) target(%dma_start3A_67 : memref<16xf32, #tpu.memory_space<hbm>>) target_semaphore(%run_scoped3A_61 : memref<!tpu.dma_semaphore, #tpu.memory_space<semaphore_mem>>)
      %dma_wait3A_68 = arith.constant 0 : i32
      %dma_wait3A_69 = tpu.memref_slice %arg4[%add3A, %dma_wait3A_68] : memref<32x16xf32, #tpu.memory_space<hbm>> -> memref<1x16xf32, #tpu.memory_space<hbm>>
      %dma_wait3A_70 = tpu.memref_squeeze %dma_wait3A_69 : memref<1x16xf32, #tpu.memory_space<hbm>> -> memref<16xf32, #tpu.memory_space<hbm>>
      %dma_wait3A_71 = arith.constant 0 : i32
      %dma_wait3A_72 = tpu.memref_slice %arg4[%add3A, %dma_wait3A_71] : memref<32x16xf32, #tpu.memory_space<hbm>> -> memref<1x16xf32, #tpu.memory_space<hbm>>
      %dma_wait3A_73 = tpu.memref_squeeze %dma_wait3A_72 : memref<1x16xf32, #tpu.memory_space<hbm>> -> memref<16xf32, #tpu.memory_space<hbm>>
      tpu.wait_dma2 semaphore(%run_scoped3A_61 : memref<!tpu.dma_semaphore, #tpu.memory_space<semaphore_mem>>) src(%arg8 : memref<16xf32, #tpu.memory_space<vmem>>) dst(%dma_wait3A_73 : memref<16xf32, #tpu.memory_space<hbm>>)
      tpu.yield
    }) : () -> ()
    return
  }
}

module attributes {stable_mosaic.version = 14 : i64} {
  func.func @_resize_body(%arg0: memref<224x224xf32, #tpu.memory_space<vmem>>, %arg1: memref<224x112xf32, #tpu.memory_space<vmem>>, %arg2: memref<224x56xf32, #tpu.memory_space<vmem>>, %arg3: memref<112x112xf32, #tpu.memory_space<vmem>>, %arg4: memref<56x56xf32, #tpu.memory_space<vmem>>) attributes {dimension_semantics = [], scalar_prefetch = 0 : i64, scratch_operands = 0 : i64, tpu.core_type = #tpu.core_type<tc>} {
    %get3A = arith.constant 0 : index
    %get3A_0 = arith.constant 0 : index
    %get3A_1 = vector.load %arg0[%get3A, %get3A_0] : memref<224x224xf32, #tpu.memory_space<vmem>>, vector<224x224xf32>
    %get3A_2 = arith.constant 0 : index
    %get3A_3 = arith.constant 0 : index
    %get3A_4 = vector.load %arg1[%get3A_2, %get3A_3] : memref<224x112xf32, #tpu.memory_space<vmem>>, vector<224x112xf32>
    %get3A_5 = arith.constant 0 : index
    %get3A_6 = arith.constant 0 : index
    %get3A_7 = vector.load %arg2[%get3A_5, %get3A_6] : memref<224x56xf32, #tpu.memory_space<vmem>>, vector<224x56xf32>
    %dot_general3A = arith.constant dense<0.000000e+00> : vector<224x112xf32>
    %dot_general3A_8 = tpu.matmul %get3A_1, %get3A_4, %dot_general3A {dimension_numbers = #tpu.dot_dimension_numbers<[1], [0], [0], [1], [0, 0, 1, 1], [], []>, transpose_lhs_hint = false} : vector<224x224xf32>, vector<224x112xf32>, vector<224x112xf32> -> vector<224x112xf32>
    %dot_general3A_9 = arith.constant dense<0.000000e+00> : vector<224x56xf32>
    %dot_general3A_10 = tpu.matmul %get3A_1, %get3A_7, %dot_general3A_9 {dimension_numbers = #tpu.dot_dimension_numbers<[1], [0], [0], [1], [0, 0, 1, 1], [], []>, transpose_lhs_hint = false} : vector<224x224xf32>, vector<224x56xf32>, vector<224x56xf32> -> vector<224x56xf32>
    %dot_general3A_11 = arith.constant dense<0.000000e+00> : vector<112x112xf32>
    %dot_general3A_12 = tpu.matmul %get3A_4, %dot_general3A_8, %dot_general3A_11 {dimension_numbers = #tpu.dot_dimension_numbers<[0], [0], [1], [1], [0, 1, 1, 1], [], []>, transpose_lhs_hint = false} : vector<224x112xf32>, vector<224x112xf32>, vector<112x112xf32> -> vector<112x112xf32>
    %swap3A = arith.constant 0 : index
    %swap3A_13 = arith.constant 0 : index
    %swap3A_14 = vector.load %arg3[%swap3A, %swap3A_13] : memref<112x112xf32, #tpu.memory_space<vmem>>, vector<112x112xf32>
    tpu.vector_store %arg3[%swap3A, %swap3A_13], %dot_general3A_12 {strides = array<i32>} : memref<112x112xf32, #tpu.memory_space<vmem>>, vector<112x112xf32>,
    %dot_general3A_15 = arith.constant dense<0.000000e+00> : vector<56x56xf32>
    %dot_general3A_16 = tpu.matmul %get3A_7, %dot_general3A_10, %dot_general3A_15 {dimension_numbers = #tpu.dot_dimension_numbers<[0], [0], [1], [1], [0, 1, 1, 1], [], []>, transpose_lhs_hint = false} : vector<224x56xf32>, vector<224x56xf32>, vector<56x56xf32> -> vector<56x56xf32>
    %swap3A_17 = arith.constant 0 : index
    %swap3A_18 = arith.constant 0 : index
    %swap3A_19 = vector.load %arg4[%swap3A_17, %swap3A_18] : memref<56x56xf32, #tpu.memory_space<vmem>>, vector<56x56xf32>
    tpu.vector_store %arg4[%swap3A_17, %swap3A_18], %dot_general3A_16 {strides = array<i32>} : memref<56x56xf32, #tpu.memory_space<vmem>>, vector<56x56xf32>,
    return
  }
}

module attributes {stable_mosaic.version = 14 : i64} {
  func.func @_patches_body(%arg0: memref<12928x16xf32, #tpu.memory_space<vmem>>, %arg1: memref<16x16xf32, #tpu.memory_space<vmem>>, %arg2: memref<16x16xf32, #tpu.memory_space<vmem>>, %arg3: memref<16x64xf32, #tpu.memory_space<vmem>>, %arg4: memref<16x64xf32, #tpu.memory_space<vmem>>, %arg5: memref<16x64xf32, #tpu.memory_space<vmem>>, %arg6: memref<12928x48xf32, #tpu.memory_space<vmem>>, %arg7: memref<64x7296xf32, #tpu.memory_space<vmem>>, %arg8: memref<5632x64xf32, #tpu.memory_space<vmem>>) attributes {dimension_semantics = [], scalar_prefetch = 0 : i64, scratch_operands = 0 : i64, tpu.core_type = #tpu.core_type<tc>} {
    %get3A = arith.constant 0 : index
    %get3A_0 = arith.constant 0 : index
    %get3A_1 = vector.load %arg0[%get3A, %get3A_0] : memref<12928x16xf32, #tpu.memory_space<vmem>>, vector<12928x16xf32>
    %get3A_2 = arith.constant 0 : index
    %get3A_3 = arith.constant 0 : index
    %get3A_4 = vector.load %arg1[%get3A_2, %get3A_3] : memref<16x16xf32, #tpu.memory_space<vmem>>, vector<16x16xf32>
    %dot_general3A = arith.constant dense<0.000000e+00> : vector<12928x16xf32>
    %dot_general3A_5 = tpu.matmul %get3A_1, %get3A_4, %dot_general3A {dimension_numbers = #tpu.dot_dimension_numbers<[1], [0], [0], [1], [0, 0, 1, 1], [], []>, transpose_lhs_hint = false} : vector<12928x16xf32>, vector<16x16xf32>, vector<12928x16xf32> -> vector<12928x16xf32>
    %get3A_6 = arith.constant 0 : index
    %get3A_7 = arith.constant 0 : index
    %get3A_8 = vector.load %arg2[%get3A_6, %get3A_7] : memref<16x16xf32, #tpu.memory_space<vmem>>, vector<16x16xf32>
    %dot_general3A_9 = arith.constant dense<0.000000e+00> : vector<12928x16xf32>
    %dot_general3A_10 = tpu.matmul %get3A_1, %get3A_8, %dot_general3A_9 {dimension_numbers = #tpu.dot_dimension_numbers<[1], [0], [0], [1], [0, 0, 1, 1], [], []>, transpose_lhs_hint = false} : vector<12928x16xf32>, vector<16x16xf32>, vector<12928x16xf32> -> vector<12928x16xf32>
    %mul3A = arith.mulf %dot_general3A_5, %dot_general3A_5 : vector<12928x16xf32>
    %get3A_11 = arith.constant 0 : index
    %get3A_12 = arith.constant 0 : index
    %get3A_13 = vector.load %arg3[%get3A_11, %get3A_12] : memref<16x64xf32, #tpu.memory_space<vmem>>, vector<16x64xf32>
    %dot_general3A_14 = arith.constant dense<0.000000e+00> : vector<12928x64xf32>
    %dot_general3A_15 = tpu.matmul %mul3A, %get3A_13, %dot_general3A_14 {dimension_numbers = #tpu.dot_dimension_numbers<[1], [0], [0], [1], [0, 0, 1, 1], [], []>, transpose_lhs_hint = false} : vector<12928x16xf32>, vector<16x64xf32>, vector<12928x64xf32> -> vector<12928x64xf32>
    %mul3A_16 = arith.mulf %dot_general3A_5, %dot_general3A_10 : vector<12928x16xf32>
    %get3A_17 = arith.constant 0 : index
    %get3A_18 = arith.constant 0 : index
    %get3A_19 = vector.load %arg4[%get3A_17, %get3A_18] : memref<16x64xf32, #tpu.memory_space<vmem>>, vector<16x64xf32>
    %dot_general3A_20 = arith.constant dense<0.000000e+00> : vector<12928x64xf32>
    %dot_general3A_21 = tpu.matmul %mul3A_16, %get3A_19, %dot_general3A_20 {dimension_numbers = #tpu.dot_dimension_numbers<[1], [0], [0], [1], [0, 0, 1, 1], [], []>, transpose_lhs_hint = false} : vector<12928x16xf32>, vector<16x64xf32>, vector<12928x64xf32> -> vector<12928x64xf32>
    %add3A = arith.addf %dot_general3A_15, %dot_general3A_21 : vector<12928x64xf32>
    %mul3A_22 = arith.mulf %dot_general3A_10, %dot_general3A_10 : vector<12928x16xf32>
    %get3A_23 = arith.constant 0 : index
    %get3A_24 = arith.constant 0 : index
    %get3A_25 = vector.load %arg5[%get3A_23, %get3A_24] : memref<16x64xf32, #tpu.memory_space<vmem>>, vector<16x64xf32>
    %dot_general3A_26 = arith.constant dense<0.000000e+00> : vector<12928x64xf32>
    %dot_general3A_27 = tpu.matmul %mul3A_22, %get3A_25, %dot_general3A_26 {dimension_numbers = #tpu.dot_dimension_numbers<[1], [0], [0], [1], [0, 0, 1, 1], [], []>, transpose_lhs_hint = false} : vector<12928x16xf32>, vector<16x64xf32>, vector<12928x64xf32> -> vector<12928x64xf32>
    %add3A_28 = arith.addf %add3A, %dot_general3A_27 : vector<12928x64xf32>
    %mul3A_29 = arith.mulf %add3A_28, %add3A_28 : vector<12928x64xf32>
    %reduce_sum3A = arith.constant dense<0.000000e+00> : vector<12928xf32>
    %reduce_sum3A_30 = vector.multi_reduction <add>, %mul3A_29, %reduce_sum3A [1] : vector<12928x64xf32> to vector<12928xf32>
    %broadcast_in_dim3A = vector.shape_cast %reduce_sum3A_30 : vector<12928xf32> to vector<12928x1xf32>
    %sqrt3A = math.sqrt %broadcast_in_dim3A : vector<12928x1xf32>
    %max3A = arith.constant 9.99999996E-13 : f32
    %max3A_31 = vector.broadcast %max3A : f32 to vector<12928x1xf32>
    %max3A_32 = arith.maximumf %sqrt3A, %max3A_31 : vector<12928x1xf32>
    %div3A = vector.broadcast %max3A_32 : vector<12928x1xf32> to vector<12928x64xf32>
    %div3A_33 = arith.divf %add3A_28, %div3A : vector<12928x64xf32>
    %mul3A_34 = arith.mulf %div3A_33, %div3A_33 : vector<12928x64xf32>
    %reduce_sum3A_35 = arith.constant dense<0.000000e+00> : vector<12928xf32>
    %reduce_sum3A_36 = vector.multi_reduction <add>, %mul3A_34, %reduce_sum3A_35 [1] : vector<12928x64xf32> to vector<12928xf32>
    %broadcast_in_dim3A_37 = vector.shape_cast %reduce_sum3A_36 : vector<12928xf32> to vector<12928x1xf32>
    %iota3A = tpu.iota {dimensions = array<i32: 1>} : vector<12928x64xi32>
    %slice3A = vector.extract_strided_slice %div3A_33 {offsets = [0, 0], sizes = [12928, 48], strides = [1, 1]} : vector<12928x64xf32> to vector<12928x48xf32>
    %swap3A = arith.constant 0 : index
    %swap3A_38 = arith.constant 0 : index
    %swap3A_39 = vector.load %arg6[%swap3A, %swap3A_38] : memref<12928x48xf32, #tpu.memory_space<vmem>>, vector<12928x48xf32>
    tpu.vector_store %arg6[%swap3A, %swap3A_38], %slice3A {strides = array<i32>} : memref<12928x48xf32, #tpu.memory_space<vmem>>, vector<12928x48xf32>,
    %iota3A_40 = tpu.iota {dimensions = array<i32: 0>} : vector<12928x64xi32>
    %slice3A_41 = vector.extract_strided_slice %iota3A_40 {offsets = [0, 0], sizes = [12928, 1], strides = [1, 1]} : vector<12928x64xi32> to vector<12928x1xi32>
    %lt3A = arith.constant 7169 : i32
    %lt3A_42 = vector.broadcast %lt3A : i32 to vector<12928x1xi32>
    %lt3A_43 = arith.cmpi slt, %slice3A_41, %lt3A_42 : vector<12928x1xi32>
    %jit3A = arith.constant 1.000000e+09 : f32
    %broadcast_in_dim3A_44 = vector.broadcast %jit3A : f32 to vector<12928x1xf32>
    %select_n3A = arith.select %lt3A_43, %broadcast_in_dim3A_37, %broadcast_in_dim3A_44 : vector<12928x1xi1>, vector<12928x1xf32>
    %eq3A = arith.constant 48 : i32
    %eq3A_45 = vector.broadcast %eq3A : i32 to vector<12928x64xi32>
    %eq3A_46 = arith.cmpi eq, %iota3A, %eq3A_45 : vector<12928x64xi32>
    %mul3A_47 = arith.constant -2.000000e+00 : f32
    %mul3A_48 = vector.broadcast %mul3A_47 : f32 to vector<12928x64xf32>
    %mul3A_49 = arith.mulf %mul3A_48, %div3A_33 : vector<12928x64xf32>
    %broadcast_in_dim3A_50 = vector.shape_cast %select_n3A : vector<12928x1xf32> to vector<12928x1xf32>
    %broadcast_in_dim3A_51 = vector.broadcast %broadcast_in_dim3A_50 : vector<12928x1xf32> to vector<12928x64xf32>
    %select_n3A_52 = arith.select %eq3A_46, %broadcast_in_dim3A_51, %mul3A_49 : vector<12928x64xi1>, vector<12928x64xf32>
    %eq3A_53 = arith.constant 49 : i32
    %eq3A_54 = vector.broadcast %eq3A_53 : i32 to vector<12928x64xi32>
    %eq3A_55 = arith.cmpi eq, %iota3A, %eq3A_54 : vector<12928x64xi32>
    %jit3A_56 = arith.constant 1.000000e+00 : f32
    %broadcast_in_dim3A_57 = vector.broadcast %jit3A_56 : f32 to vector<12928x64xf32>
    %select_n3A_58 = arith.select %eq3A_55, %broadcast_in_dim3A_57, %select_n3A_52 : vector<12928x64xi1>, vector<12928x64xf32>
    %slice3A_59 = vector.extract_strided_slice %select_n3A_58 {offsets = [0, 0], sizes = [7296, 64], strides = [1, 1]} : vector<12928x64xf32> to vector<7296x64xf32>
    %transpose3A = tpu.transpose %slice3A_59, [1, 0] : vector<7296x64xf32> -> vector<64x7296xf32>
    %swap3A_60 = arith.constant 0 : index
    %swap3A_61 = arith.constant 0 : index
    %swap3A_62 = vector.load %arg7[%swap3A_60, %swap3A_61] : memref<64x7296xf32, #tpu.memory_space<vmem>>, vector<64x7296xf32>
    tpu.vector_store %arg7[%swap3A_60, %swap3A_61], %transpose3A {strides = array<i32>} : memref<64x7296xf32, #tpu.memory_space<vmem>>, vector<64x7296xf32>,
    %eq3A_63 = arith.constant 48 : i32
    %eq3A_64 = vector.broadcast %eq3A_63 : i32 to vector<12928x64xi32>
    %eq3A_65 = arith.cmpi eq, %iota3A, %eq3A_64 : vector<12928x64xi32>
    %jit3A_66 = arith.constant 1.000000e+00 : f32
    %broadcast_in_dim3A_67 = vector.broadcast %jit3A_66 : f32 to vector<12928x64xf32>
    %select_n3A_68 = arith.select %eq3A_65, %broadcast_in_dim3A_67, %div3A_33 : vector<12928x64xi1>, vector<12928x64xf32>
    %slice3A_69 = vector.extract_strided_slice %select_n3A_68 {offsets = [7296, 0], sizes = [5632, 64], strides = [1, 1]} : vector<12928x64xf32> to vector<5632x64xf32>
    %slice3A_70 = vector.extract_strided_slice %select_n3A_68 {offsets = [0, 0], sizes = [5632, 64], strides = [1, 1]} : vector<12928x64xf32> to vector<5632x64xf32>
    %add3A_71 = arith.addf %slice3A_69, %slice3A_70 : vector<5632x64xf32>
    %slice3A_72 = vector.extract_strided_slice %broadcast_in_dim3A_37 {offsets = [7296, 0], sizes = [5632, 1], strides = [1, 1]} : vector<12928x1xf32> to vector<5632x1xf32>
    %slice3A_73 = vector.extract_strided_slice %broadcast_in_dim3A_37 {offsets = [0, 0], sizes = [5632, 1], strides = [1, 1]} : vector<12928x1xf32> to vector<5632x1xf32>
    %add3A_74 = arith.addf %slice3A_72, %slice3A_73 : vector<5632x1xf32>
    %iota3A_75 = tpu.iota {dimensions = array<i32: 1>} : vector<5632x64xi32>
    %eq3A_76 = arith.constant 49 : i32
    %eq3A_77 = vector.broadcast %eq3A_76 : i32 to vector<5632x64xi32>
    %eq3A_78 = arith.cmpi eq, %iota3A_75, %eq3A_77 : vector<5632x64xi32>
    %broadcast_in_dim3A_79 = vector.shape_cast %add3A_74 : vector<5632x1xf32> to vector<5632x1xf32>
    %broadcast_in_dim3A_80 = vector.broadcast %broadcast_in_dim3A_79 : vector<5632x1xf32> to vector<5632x64xf32>
    %select_n3A_81 = arith.select %eq3A_78, %broadcast_in_dim3A_80, %add3A_71 : vector<5632x64xi1>, vector<5632x64xf32>
    %swap3A_82 = arith.constant 0 : index
    %swap3A_83 = arith.constant 0 : index
    %swap3A_84 = vector.load %arg8[%swap3A_82, %swap3A_83] : memref<5632x64xf32, #tpu.memory_space<vmem>>, vector<5632x64xf32>
    tpu.vector_store %arg8[%swap3A_82, %swap3A_83], %select_n3A_81 {strides = array<i32>} : memref<5632x64xf32, #tpu.memory_space<vmem>>, vector<5632x64xf32>,
    return
  }
}

module attributes {stable_mosaic.version = 14 : i64} {
  func.func @_knn_body(%arg0: memref<5632x64xf32, #tpu.memory_space<vmem>>, %arg1: memref<64x7296xf32, #tpu.memory_space<vmem>>, %arg2: memref<5632xi32, #tpu.memory_space<vmem>>) attributes {dimension_semantics = [], scalar_prefetch = 0 : i64, scratch_operands = 0 : i64, tpu.core_type = #tpu.core_type<tc>} {
    %get3A = arith.constant 0 : index
    %get3A_0 = arith.constant 0 : index
    %get3A_1 = vector.load %arg1[%get3A, %get3A_0] : memref<64x7296xf32, #tpu.memory_space<vmem>>, vector<64x7296xf32>
    %scan3A = arith.constant 0 : i32
    %scan3A_2 = arith.constant 11 : i32
    %scan3A_3 = arith.addi %scan3A, %scan3A_2 : i32
    %scan3A_4 = arith.constant 1 : i32
    scf.for %scan3A_6 = %scan3A to %scan3A_3 step %scan3A_4  : i32 {
      %mul3A = arith.constant 512 : i32
      %mul3A_7 = arith.muli %scan3A_6, %mul3A : i32
      %get3A_8 = arith.index_cast %mul3A_7 : i32 to index
      %get3A_9 = arith.constant 0 : index
      %get3A_10 = vector.load %arg0[%get3A_8, %get3A_9] : memref<5632x64xf32, #tpu.memory_space<vmem>>, vector<512x64xf32>
      %dot_general3A = arith.constant dense<0.000000e+00> : vector<512x7296xf32>
      %dot_general3A_11 = tpu.matmul %get3A_10, %get3A_1, %dot_general3A {dimension_numbers = #tpu.dot_dimension_numbers<[1], [0], [0], [1], [0, 0, 1, 1], [], []>, transpose_lhs_hint = false} : vector<512x64xf32>, vector<64x7296xf32>, vector<512x7296xf32> -> vector<512x7296xf32>
      %iota3A = tpu.iota {dimensions = array<i32: 1>} : vector<512x7296xi32>
      %reduce_min3A = arith.constant dense<0x7F800000> : vector<512xf32>
      %reduce_min3A_12 = vector.multi_reduction <minimumf>, %dot_general3A_11, %reduce_min3A [1] : vector<512x7296xf32> to vector<512xf32>
      %broadcast_in_dim3A = vector.shape_cast %reduce_min3A_12 : vector<512xf32> to vector<512x1xf32>
      %eq3A = vector.broadcast %broadcast_in_dim3A : vector<512x1xf32> to vector<512x7296xf32>
      %eq3A_13 = arith.cmpf oeq, %dot_general3A_11, %eq3A : vector<512x7296xf32>
      %jit3A = arith.constant 1073741824 : i32
      %broadcast_in_dim3A_14 = vector.broadcast %jit3A : i32 to vector<512x7296xi32>
      %select_n3A = arith.select %eq3A_13, %iota3A, %broadcast_in_dim3A_14 : vector<512x7296xi1>, vector<512x7296xi32>
      %reduce_min3A_15 = arith.constant dense<2147483647> : vector<512xi32>
      %reduce_min3A_16 = vector.multi_reduction <minsi>, %select_n3A, %reduce_min3A_15 [1] : vector<512x7296xi32> to vector<512xi32>
      %mul3A_17 = arith.constant 512 : i32
      %mul3A_18 = arith.muli %scan3A_6, %mul3A_17 : i32
      %iota3A_19 = tpu.iota {dimensions = array<i32: 1>} : vector<1x512xi32>
      %iota3A_20 = vector.shape_cast %iota3A_19 : vector<1x512xi32> to vector<512xi32>
      %add3A = vector.broadcast %mul3A_18 : i32 to vector<512xi32>
      %add3A_21 = arith.addi %add3A, %iota3A_20 : vector<512xi32>
      %lt3A = arith.constant 5476 : i32
      %lt3A_22 = vector.broadcast %lt3A : i32 to vector<512xi32>
      %lt3A_23 = arith.cmpi slt, %add3A_21, %lt3A_22 : vector<512xi32>
      %jit3A_24 = arith.constant 7200 : i32
      %broadcast_in_dim3A_25 = vector.broadcast %jit3A_24 : i32 to vector<512xi32>
      %select_n3A_26 = arith.select %lt3A_23, %reduce_min3A_16, %broadcast_in_dim3A_25 : vector<512xi1>, vector<512xi32>
      %mul3A_27 = arith.constant 512 : i32
      %mul3A_28 = arith.muli %scan3A_6, %mul3A_27 : i32
      %swap3A = arith.index_cast %mul3A_28 : i32 to index
      %swap3A_29 = vector.load %arg2[%swap3A] : memref<5632xi32, #tpu.memory_space<vmem>>, vector<512xi32>
      tpu.vector_store %arg2[%swap3A], %select_n3A_26 {strides = array<i32>} : memref<5632xi32, #tpu.memory_space<vmem>>, vector<512xi32>,
    }
    %scan3A_5 = arith.constant 11 : i32
    return
  }
}

</mosaic_0001>

<sc_bundles>
// kernel: kernel.6.cloned.1.call-start
scs
__scs_entry_jumppad:
0x0: {  	(pc) =	sbr.rel $0x88, $3  }
0x1: {  	(tag) =	ssettag $0x0;
	lr =	simm.s32 $0x1  }
0x2: {  	[smem:$0x3F9F] =	sst lr;
	_ =	strace $0xD0000000  }
0x3: {  	_ = 	snop  }
0x4: {  	_ = 	snop  }
0x5: {  	_ = 	snop  }
0x6: {  	_ = 	snop  }
0x7: {  	_ = 	snop  }
__scs_overlays_trampoline_lowered:
0x8: {  	[smem:$0x3FAE] =	sst s0  }
0x9: {  	[smem:$0x3FAF] =	sst s1  }
0xa: {  	[smem:$0x3FB0] =	sst s2  }
0xb: {  	[smem:$0x3FB1] =	sst s3  }
0xc: {  	[smem:$0x3FB2] =	sst s4  }
0xd: {  	[smem:$0x3FB3] =	sst s5  }
0xe: {  	[smem:$0x3FB4] =	sst s6  }
0xf: {  	[smem:$0x3FB5] =	sst s7  }
0x10: {  	[smem:$0x3FB6] =	sst s8  }
0x11: {  	[smem:$0x3FB7] =	sst s9;
	s0 =	simm.s32 @!p0 $0x0  }
0x12: {  	s1 =	sld [smem:$0x3F9D];
	s0 =	simm.s32 @p0 $0x1  }
0x13: {  	[smem:$0x3FB8] =	sst s0;
	s0 =	simm.s32 @!p1 $0x0  }
0x14: {  	s2 =	sld [smem:$0x3F9C];
	s0 =	simm.s32 @p1 $0x1  }
0x15: {  	[smem:$0x3FB9] =	sst s0;
	s0 =	simm.s32 @!p2 $0x0  }
0x16: {  	s3 =	sld [smem:$0x3FDB];
	s0 =	simm.s32 @p2 $0x1  }
0x17: {  	s4 =	simm.s32 $0x1BF5;
	[smem:$0x3FBB] =	sst s0  }
0x18: {  	s0 =	sld [smem:$0x3F9E];
	_ =	swait.ge [sflag:s4], $0x0  }
0x19: {  	s7 =	sld [smem:$0x3F9F]  }
0x1a: {  	s8 =	sadd.s32 $0xFFFFE003, lr  }
0x1b: {  	s9 =	sadd.s32 $0xFFFFFEF7, lr;
	s5 =	simm.s32 $0xFFFFFFFF;
	p2 =	slt.u32 s8, $0xFFFFF086  }
0x1c: {  	p1 =	slt.u32 s9, $0xF7A;
	s5 =	simm.s32 @!p2 $0x0  }
0x1d: {  	s5 =	simm.s32 @p1 $0x1;
	p0 =	seq.s32 s7, s2  }
0x1e: {  	s7 =	smul.u32 @!p0 $0xF7A, s2;
	p2 =	seq.s32 @!p0 s5, $0x0  }
0x1f: {  	s9 =	smul.u32 $0xF7A, s1;
	s8 =	simm.s32 @!p0 $0x1BF5;
	p2 =	por !p2, p0  }
0x20: {  	[sflag:s8] =	ssyncset.s32 @!p0 $0xFFFFF086;
	s6 =	sadd.s32 @!p0 s3, s7;
	s7 =	simm.s32 @!p0 $0x108  }
0x21: {  	s3 =	sadd.s32 s3, s9;
	s6 =	sadd.s32 @!p0 $0x88, s6;
	s7 =	simm.s32 @p2 $0x1082  }
0x22: {  	[simem:s7], [sflag:s8] =	dma.local @!p0 [hbm:s6], $0xF7A  }
0x23: {  	s9 =	sor.u32 $0xD0000000, s2;
	s6 =	simm.s32 $0x108;
	_ =	swait.ge @!p0 [sflag:s8], $0x0  }
0x24: {  	s3 =	sadd.s32 $0x88, s3;
	s6 =	simm.s32 @!p1 $0x1082;
	[sflag:s4] =	ssyncset.s32 $0xFFFFF086  }
0x25: {  	[simem:s6], [sflag:s4] =	dma.local [hbm:s3], $0xF7A  }
0x26: {  	[smem:$0x3F9F] =	sst s1;
	(tag) =	ssettag s2;
	_ =	strace s9  }
0x27: {  	s1 =	sld [smem:$0x3FAF]  }
0x28: {  	s2 =	sld [smem:$0x3FB0]  }
0x29: {  	s4 =	sld [smem:$0x3FB2]  }
0x2a: {  	p0 =	seq.s32 s5, $0x0;
	s5 =	sld [smem:$0x3FB3]  }
0x2b: {  	s6 =	sld [smem:$0x3FB4]  }
0x2c: {  	s7 =	sld [smem:$0x3FB5]  }
0x2d: {  	s3 =	simm.s32 $0x108;
	s8 =	sld [smem:$0x3FB6]  }
0x2e: {  	s3 =	simm.s32 @!p0 $0x1082;
	s9 =	sld [smem:$0x3FB7]  }
0x2f: {  	lr =	sadd.s32 s0, s3;
	s0 =	sld [smem:$0x3FAE]  }
0x30: {  	s3 =	sld [smem:$0x3FB1]  }
0x31: {  	[smem:$0x3FBA] =	sst s10  }
0x32: {  	s10 =	sld [smem:$0x3FB8];
	_ =	sdelay $0x3  }
0x33: {  	p0 =	seq.s32 s10, $0x1;
	s10 =	sld [smem:$0x3FBA];
	_ =	sdelay $0x3  }
0x34: {  	[smem:$0x3FBA] =	sst s10  }
0x35: {  	s10 =	sld [smem:$0x3FB9];
	_ =	sdelay $0x3  }
0x36: {  	p1 =	seq.s32 s10, $0x1;
	s10 =	sld [smem:$0x3FBA];
	_ =	sdelay $0x3  }
0x37: {  	[smem:$0x3FBA] =	sst s10  }
0x38: {  	s10 =	sld [smem:$0x3FBB]  }
0x39: {  	_ = 	snop;
	(pc) =	sbr.ind lr, $3  }
0x3a: {  	_ = 	snop  }
0x3b: {  	_ = 	snop  }
0x3c: {  	p2 =	seq.s32 s10, $0x1;
	s10 =	sld [smem:$0x3FBA]  }
0x3d: {  	_ =	shalt  }
0x3e: {  	_ =	shalt  }
0x3f: {  	_ =	shalt  }
0x40: {  	_ =	shalt  }
0x41: {  	_ =	shalt  }
0x42: {  	_ =	shalt  }
0x43: {  	_ =	shalt  }
0x44: {  	_ =	shalt  }
0x45: {  	_ =	shalt  }
0x46: {  	_ =	shalt  }
0x47: {  	_ =	shalt  }
0x48: {  	_ =	shalt  }
0x49: {  	_ =	shalt  }
0x4a: {  	_ =	shalt  }
0x4b: {  	_ =	shalt  }
0x4c: {  	_ =	shalt  }
0x4d: {  	_ =	shalt  }
0x4e: {  	_ =	shalt  }
0x4f: {  	_ =	shalt  }
0x50: {  	_ =	shalt  }
0x51: {  	_ =	shalt  }
0x52: {  	_ =	shalt  }
0x53: {  	_ =	shalt  }
0x54: {  	_ =	shalt  }
0x55: {  	_ =	shalt  }
0x56: {  	_ =	shalt  }
0x57: {  	_ =	shalt  }
0x58: {  	_ =	shalt  }
0x59: {  	_ =	shalt  }
0x5a: {  	_ =	shalt  }
0x5b: {  	_ =	shalt  }
0x5c: {  	_ =	shalt  }
0x5d: {  	_ =	shalt  }
0x5e: {  	_ =	shalt  }
0x5f: {  	_ =	shalt  }
0x60: {  	_ =	shalt  }
0x61: {  	_ =	shalt  }
0x62: {  	_ =	shalt  }
0x63: {  	_ =	shalt  }
0x64: {  	_ =	shalt  }
0x65: {  	_ =	shalt  }
0x66: {  	_ =	shalt  }
0x67: {  	_ =	shalt  }
0x68: {  	_ =	shalt  }
0x69: {  	_ =	shalt  }
0x6a: {  	_ =	shalt  }
0x6b: {  	_ =	shalt  }
0x6c: {  	_ =	shalt  }
0x6d: {  	_ =	shalt  }
0x6e: {  	_ =	shalt  }
0x6f: {  	_ =	shalt  }
0x70: {  	_ =	shalt  }
0x71: {  	_ =	shalt  }
0x72: {  	_ =	shalt  }
0x73: {  	_ =	shalt  }
0x74: {  	_ =	shalt  }
0x75: {  	_ =	shalt  }
0x76: {  	_ =	shalt  }
0x77: {  	_ =	shalt  }
0x78: {  	_ =	shalt  }
0x79: {  	_ =	shalt  }
0x7a: {  	_ =	shalt  }
0x7b: {  	_ =	shalt  }
0x7c: {  	_ =	shalt  }
0x7d: {  	_ =	shalt  }
0x7e: {  	_ =	shalt  }
0x7f: {  	_ =	shalt  }
0x80: {  	_ =	shalt  }
0x81: {  	_ =	shalt  }
0x82: {  	_ =	shalt  }
0x83: {  	_ =	shalt  }
0x84: {  	_ =	shalt  }
0x85: {  	_ =	shalt  }
0x86: {  	_ =	shalt  }
0x87: {  	_ =	shalt  }
.Lfunc_end0:
.L_simem_size_0:
called_computation_lowered:
.L_overlay_start_0:
0x88: {  	s2 =	sld [smem:$0x3FD9]  }
0x89: {  	s3 =	sld [smem:$0x3FFE];
	_ =	sdelay $0x1  }
0x8a: {  	s1 =	srdreg.scid  }
0x8b: {  	s0 =	sand.u32 $0x1, s1  }
0x8c: {  	s16 =	sshll.u32 s0, $0xA;
	s2 =	sadd.s32 s3, s2  }
0x8d: {  	s2 =	sadd.s32 s2, s16  }
0x8e: {  	[smem:$0x3FC6] =	sst s2  }
0x8f: {  	_ = 	snop  }
0x90: {  	(tm) =	ssettm $0x1  }
0x91: {  	s17 =	sld [smem:$0x3FFB];
	_ =	sdelay $0x3  }
0x92: {  	_ =	strace s17  }
0x93: {  	s2 =	sld [smem:$0x3FFC];
	_ =	sdelay $0x3  }
0x94: {  	_ =	strace s2  }
0x95: {  	s2 =	sld [smem:$0x3FFD];
	_ =	sdelay $0x3  }
0x96: {  	_ =	strace s2  }
0x97: {  	_ =	strace $0x8FFFFFFF  }
0x98: {  	s18 =	sld [smem:$0x3FDB];
	_ =	sdelay $0x1  }
0x99: {  	s19 =	simm.s32 $_scs_section_size  }
0x9a: {  	s4 =	simm.s32 $_size__tile_overlayer_lowered;
	s5 =	simm.s32 $_tile_overlayer_lowered  }
0x9b: {  	s22 =	simm.s32 $0x1BFF;
	s21 =	sshll.u32 s5, $0x1;
	s2 =	sadd.s32 s19, s18  }
0x9c: {  	s6 =	simm.s32 $0x0;
	s20 =	sshll.u32 s4, $0x1;
	s4 =	sadd.s32 s21, s2  }
0x9d: {  	[timem:s6], [sflag:s22] =	dma.local [hbm:s4], s20  }
0x9e: {  	_ =	swait.ge [sflag:s22], s20  }
0x9f: {  	s3 =	ssub.s32 $0x0, s20;
	[sflag:s22] =	ssyncset.done $0x0  }
0xa0: {  	[sflag:s22] =	ssyncadd.s32 s3;
	_ =	sdelay $0x1  }
0xa1: {  	s23 =	simm.s32 $0x1B8B  }
0xa2: {  	_ =	swait.ge [sflag:s23], $0x1  }
0xa3: {  	[sflag:s23] =	ssyncset.done $0x0  }
0xa4: {  	s25 =	simm.s32 $0x1B8E;
	s24 =	sld [smem:$0x3FFE];
	[sflag:s23] =	ssyncadd.s32 $0xFFFFFFFF  }
0xa5: {  	s26 =	simm.s32 $execute0_lowered;
	[smem:$0x3FD2] =	sst s25  }
0xa6: {  	s4 =	sshll.u32 s26, $0x1;
	_ =	strace $0x80000046;
	[dreg:$0x1] =	wrdreg $0xFFFFFFFF  }
0xa7: {  	s28 =	simm.s32 $_size_execute0_lowered;
	s2 =	sadd.s32 s2, s4;
	[dreg:$0x0] =	wrdreg $0x0  }
0xa8: {  	s4 =	sshll.u32 s28, $0x1;
	[dreg:$0x2] =	wrdreg s2  }
0xa9: {  	[dreg:$0x3] =	wrdreg s4  }
0xaa: {  	[dreg:$0x4] =	wrdreg $0xC0  }
0xab: {  	_ =	task [dreg:s6], $0x5FFFF  }
0xac: {  	[dreg:$0x1] =	wrdreg $0xFFFFFFFF  }
0xad: {  	[dreg:$0x0] =	wrdreg $0x60  }
0xae: {  	[dreg:$0x2] =	wrdreg s24  }
0xaf: {  	[dreg:$0x3] =	wrdreg $0x9  }
0xb0: {  	_ =	task.clear_ibuf [dreg:s6], $0x4FFFF;
	_ =	strace $0x90000046  }
0xb1: {  	s29 =	simm.s32 $0x9;
	_ =	strace $0x80000048  }
0xb2: {  	_ =	swait.ge [sflag:s29], $0x1  }
0xb3: {  	[sflag:s29] =	ssyncadd.s32 $0xFFFFFFFF  }
0xb4: {  	_ =	strace $0x90000048  }
0xb5: {  	_ =	sfence  }
0xb6: {  	s30 =	sld [smem:$0x0];
	_ =	sdelay $0x2  }
0xb7: {  	s31 =	sshll.u32 s1, $0xD;
	s1 =	sshrl.u32 s1, $0x2  }
0xb8: {  	s3 =	sand.u32 $0x4000, s31;
	s1 =	sadd.s32 s1, s30  }
0xb9: {  	s0 =	sor.u32 s3, s0;
	s1 =	sshll.u32 s1, $0x11  }
0xba: {  	s0 =	sor.u32 s1, s0  }
0xbb: {  	s0 =	sadd.s32 $0x8F2B, s0  }
0xbc: {  	[sflag:s0] =	ssyncadd.remote.s32 $0x1  }
0xbd: {  	_ =	sfence.sel $0xFFFF  }
0xbe: {  	[dreg:$0x0] =	wrdreg $0xFFFFFFFF;
	(pc) =	sbr.abs _section_cstart, $3  }
0xbf: {  	[dreg:$0x1] =	wrdreg $0xFFFFFFFF  }
0xc0: {  	_ =	task.clear_ibuf [dreg:s6], $0x2FFFF;
	_ =	strace $0x9FFFFFFF  }
0xc1: {  	(tm) =	ssettm $0x7FFFFFFF  }
tec
execute0_lowered:
.L_overlay_start_1:
0x0: {  	(tag) =	ssettag $0x1  }
0x1: {  	s4 =	rddreg [dreg:$0x0]  }
0x2: {  	s0 =	rddreg [dreg:$0x1];
	s2 =	simm.s32 $0x0;
	s3 =	srdreg.scid  }
0x3: {  	s1 =	stileid.u32;
	s11 =	simm.s32 $0x58;
	s12 =	simm.s32 $0xB0  }
0x4: {  	s13 =	simm.s32 $0x1;
	s14 =	simm.s32 $0x1130;
	s15 =	simm.s32 $0x21B0  }
0x5: {  	s16 =	simm.s32 $0x0;
	s5 =	sand.u32 $0x1, s3;
	s28 =	sshll.u32 s1, $0x1  }
0x6: {  	[smem:$0x7FF] =	sst s2;
	s3 =	sadd.s32 $0x1400, s4;
	s6 =	sor.u32 s5, s28  }
0x7: {  	s10 =	sadd.s32 $0x14400, s4;
	s5 =	ssub.s32 $0x2, s5;
	s7 =	smul.u32 $0xB0, s6  }
0x8: {  	s8 =	sshll.u32 s6, $0x1;
	s9 =	sshrl.u32 s5, $0x1;
	s6 =	smul.u32 $0x2100, s6  }
0x9: {  	_ =	strace $0x80000047;
	s8 =	sadd.s32 s8, s4;
	s9 =	ssub.s32 s5, s9  }
0xa: {  	s29 =	sshrl.u32 s7, $0x3;
	s30 =	sadd.s32 $0x58, s7;
	s6 =	sshrl.u32 s6, $0x3  }
0xb: {  	s8 =	sadd.s32 $0x14800, s8;
	s9 =	smax.u32 s9, $0x1;
	s5 =	sshrl.u32 s30, $0x3  }
0xc: {  	s4 =	sadd.s32 s10, s29;
	s31 =	sadd.s32 s3, s6;
	s5 =	sadd.s32 s10, s5  }
0xd: {  	s6 =	sadd.s32 $0xAB00, s31;
	s7 =	sadd.s32 $0xAD10, s31;
	s10 =	simm.s32 $0x2  }
.LBB2_1:
0xe: {  	[tilespmem:s2], [sflag:$0x2] =	stream.linear.gather [hbm4b:s4+s2], $0x58, $0x38;
	[tilespmem:$0x21C0] =	vst v63  }
0xf: {  	_ =	swait.ge [sflag:s10], $0x58  }
0x10: {  	[sflag:s10] =	ssyncset.done $0x0  }
0x11: {  	[sflag:s10] =	ssyncadd.s32 $0xFFFFFFA8  }
0x12: {  	[tilespmem:s11], [sflag:$0x2] =	stream.linear.gather [hbm4b:s5+s2], $0x58, $0x38;
	[tilespmem:$0x21C0] =	vst v63  }
0x13: {  	_ =	swait.ge [sflag:s10], $0x58  }
0x14: {  	[sflag:s10] =	ssyncset.done $0x0  }
0x15: {  	[sflag:s10] =	ssyncadd.s32 $0xFFFFFFA8  }
0x16: {  	[tilespmem:s12], [sflag:$0x1] =	stream.indirect.gather [hbm4b:s3+s11], $0x30, s2, s11, $0xb8;
	[tilespmem:$0x21C0] =	vst v63  }
0x17: {  	_ =	swait.ge [sflag:s13], $0x1080  }
0x18: {  	[sflag:s13] =	ssyncset.done $0x0  }
0x19: {  	[sflag:s13] =	ssyncadd.s32 $0xFFFFEF80  }
0x1a: {  	[tilespmem:s14], [sflag:$0x2] =	stream.linear.gather [hbm4b:s6+s2], $0x1080, $0x38;
	[tilespmem:$0x21C0] =	vst v63  }
0x1b: {  	_ =	swait.ge [sflag:s10], $0x1080  }
0x1c: {  	[sflag:s10] =	ssyncset.done $0x0  }
0x1d: {  	s18 =	simm.s32 $0x0;
	[sflag:s10] =	ssyncadd.s32 $0xFFFFEF80  }
0x1e: {  	v0 =	vld [tilespmem:s18+$0x1130]  }
0x1f: {  	v1 =	vld [tilespmem:s18+$0xB0]  }
0x20: {  	v3 =	vld [tilespmem:s18+$0x1140]  }
0x21: {  	v5 =	vld [tilespmem:s18+$0xC0]  }
0x22: {  	v8 =	vld [tilespmem:s18+$0x1150]  }
0x23: {  	s17 =	simm.s32 $0x30;
	v9 =	vld [tilespmem:s18+$0xD0]  }
0x24: {  	v2 =	vld [tilespmem:s17+$0x1130];
	v1 =	vsub.f32 v0, v1  }
0x25: {  	v4 =	vld [tilespmem:s17+$0xB0]  }
0x26: {  	v6 =	vimm.f32 $0.0e+00;
	v0 =	vld [tilespmem:s17+$0x1140];
	v5 =	vsub.f32 v3, v5;
	v1 =	vand.u32 $0x7FFFFFFF, v1  }
0x27: {  	v3 =	vld [tilespmem:s17+$0xC0];
	v6 =	vadd.f32 v1, v6  }
0x28: {  	s18 =	simm.s32 $0x180;
	v7 =	vand.u32 $0x7FFFFFFF, v5;
	v5 =	vsub.f32 v8, v9;
	v1 =	vld [tilespmem:s17+$0x1150]  }
.LBB2_2:
0x29: {  	v8 =	vld [tilespmem:s17+$0xD0];
	s17 =	sshra.s32 s18, $0x2;
	v6 =	vadd.f32 v7, v6;
	p0 =	sne.s32 s18, $0x4140  }
.Ltmp0:
0x2a: {  	s18 =	sadd.s32 $0xC0, s18;
	v7 =	vsub.f32 v2, v4;
	v2 =	vld [tilespmem:s17+$0x1130];
	v5 =	vand.u32 $0x7FFFFFFF, v5;
	(pc) =	sbr.rel @p0 .LBB2_2-.Ltmp0, $4  }
0x2b: {  	v4 =	vld [tilespmem:s17+$0xB0];
	v5 =	vadd.f32 v5, v6  }
0x2c: {  	v6 =	vand.u32 $0x7FFFFFFF, v7;
	v7 =	vsub.f32 v0, v3;
	v0 =	vld [tilespmem:s17+$0x1140]  }
0x2d: {  	v3 =	vld [tilespmem:s17+$0xC0];
	v6 =	vadd.f32 v6, v5  }
0x2e: {  	v7 =	vand.u32 $0x7FFFFFFF, v7;
	v5 =	vsub.f32 v1, v8;
	v1 =	vld [tilespmem:s17+$0x1150]  }
0x2f: {  	v8 =	vld [tilespmem:s17+$0xD0];
	[tilespmem:s12], [sflag:$0x1] =	stream.indirect.gather [hbm4b:s3+s11], $0x30, s11, s11, $0xb8  }
0x30: {  	_ =	swait.ge [sflag:s13], $0x1080  }
0x31: {  	[sflag:s13] =	ssyncset.done $0x0  }
0x32: {  	s31 =	simm.s32 $0x0;
	[sflag:s13] =	ssyncadd.s32 $0xFFFFEF80  }
0x33: {  	[tilespmem:s14], [sflag:$0x2] =	stream.linear.gather [hbm4b:s7+s31], $0x1080, $0x38;
	[tilespmem:$0x21C0] =	vst v63  }
0x34: {  	_ =	swait.ge [sflag:s10], $0x1080  }
0x35: {  	[sflag:s10] =	ssyncset.done $0x0  }
0x36: {  	s18 =	simm.s32 $0x0;
	v6 =	vadd.f32 v7, v6;
	[sflag:s10] =	ssyncadd.s32 $0xFFFFEF80  }
0x37: {  	v2 =	vsub.f32 v2, v4;
	v4 =	vand.u32 $0x7FFFFFFF, v5;
	v7 =	vld [tilespmem:s18+$0x1130]  }
0x38: {  	v4 =	vadd.f32 v4, v6;
	v5 =	vld [tilespmem:s18+$0xB0]  }
0x39: {  	v2 =	vand.u32 $0x7FFFFFFF, v2;
	v0 =	vsub.f32 v0, v3;
	v6 =	vld [tilespmem:s18+$0x1140]  }
0x3a: {  	v2 =	vadd.f32 v2, v4;
	v9 =	vld [tilespmem:s18+$0xC0]  }
0x3b: {  	v0 =	vand.u32 $0x7FFFFFFF, v0;
	v1 =	vsub.f32 v1, v8;
	v10 =	vld [tilespmem:s18+$0x1150]  }
0x3c: {  	s17 =	simm.s32 $0x30;
	v2 =	vadd.f32 v0, v2;
	v8 =	vld [tilespmem:s18+$0xD0]  }
0x3d: {  	v1 =	vand.u32 $0x7FFFFFFF, v1;
	v0 =	vld [tilespmem:s17+$0x1130];
	v4 =	vsub.f32 v7, v5  }
0x3e: {  	v3 =	vld [tilespmem:s17+$0xB0];
	v2 =	vadd.f32 v1, v2  }
0x3f: {  	v1 =	vld [tilespmem:s17+$0x1140];
	v5 =	vsub.f32 v6, v9;
	v6 =	vand.u32 $0x7FFFFFFF, v4  }
0x40: {  	v4 =	vld [tilespmem:s17+$0xC0];
	v6 =	vadd.f32 v6, v2  }
0x41: {  	s18 =	simm.s32 $0x180;
	v7 =	vand.u32 $0x7FFFFFFF, v5;
	v5 =	vsub.f32 v10, v8;
	v2 =	vld [tilespmem:s17+$0x1150]  }
.LBB2_4:
0x42: {  	v8 =	vld [tilespmem:s17+$0xD0];
	s17 =	sshra.s32 s18, $0x2;
	v6 =	vadd.f32 v7, v6;
	p0 =	sne.s32 s18, $0x4140  }
.Ltmp1:
0x43: {  	s18 =	sadd.s32 $0xC0, s18;
	v7 =	vsub.f32 v0, v3;
	v0 =	vld [tilespmem:s17+$0x1130];
	v5 =	vand.u32 $0x7FFFFFFF, v5;
	(pc) =	sbr.rel @p0 .LBB2_4-.Ltmp1, $4  }
0x44: {  	v3 =	vld [tilespmem:s17+$0xB0];
	v5 =	vadd.f32 v5, v6  }
0x45: {  	v6 =	vand.u32 $0x7FFFFFFF, v7;
	v7 =	vsub.f32 v1, v4;
	v1 =	vld [tilespmem:s17+$0x1140]  }
0x46: {  	v4 =	vld [tilespmem:s17+$0xC0];
	v6 =	vadd.f32 v6, v5  }
0x47: {  	v7 =	vand.u32 $0x7FFFFFFF, v7;
	v5 =	vsub.f32 v2, v8;
	v2 =	vld [tilespmem:s17+$0x1150]  }
0x48: {  	v8 =	vld [tilespmem:s17+$0xD0];
	v6 =	vadd.f32 v7, v6  }
0x49: {  	v0 =	vsub.f32 v0, v3;
	v62 =	vand.u32 $0x7FFFFFFF, v5  }
0x4a: {  	v3 =	vadd.f32 v62, v6  }
0x4b: {  	v0 =	vand.u32 $0x7FFFFFFF, v0;
	v1 =	vsub.f32 v1, v4  }
0x4c: {  	v0 =	vadd.f32 v0, v3  }
0x4d: {  	v1 =	vand.u32 $0x7FFFFFFF, v1;
	v2 =	vsub.f32 v2, v8  }
0x4e: {  	v0 =	vadd.f32 v1, v0  }
0x4f: {  	v63 =	vand.u32 $0x7FFFFFFF, v2  }
0x50: {  	s16 =	sadd.s32 $0x1, s16;
	v0 =	vadd.f32 v63, v0  }
0x51: {  	p0 =	sne.s32 s16, s9  }
.Ltmp2:
0x52: {  	[tilespmem:$0x21B0] =	vst v0;
	(pc) =	sbr.rel @p0 .LBB2_1-.Ltmp2, $4  }
0x53: {  	[hbm4b:s8+s2] =	stream.linear.scatter [tilespmem:s15], [sflag:$0x2], $0x10, $0x38;
	[tilespmem:$0x21C0] =	vst v63  }
0x54: {  	_ =	swait.ge [sflag:s10], $0x10  }
0x55: {  	[sflag:s10] =	ssyncset.done $0x0  }
0x56: {  	[sflag:s10] =	ssyncadd.s32 $0xFFFFFFF0  }
0x57: {  	_ =	sfence.sel $0x180000  }
0x58: {  	[bflag:$0x0] =	sbarrier.arrive $0xFFFF  }
0x59: {  	p0 =	sne.s32 s1, $0x0;
	_ =	strace $0x90000047  }
0x5a: {  	s0 =	sadd.s32 @!p0 $0x100000, s0;
	[bflag:$0x2] =	sbarrier.arrive $0xFFFF  }
0x5b: {  	[sflag:s0] =	ssyncadd.tile.s32 @!p0 $0x1;
	_ =	shalt  }
.Lfunc_end2:
_tile_overlayer_lowered:
.L_overlay_start_2:
0x5c: {  	(tag) =	ssettag $0x2  }
0x5d: {  	s0 =	rddreg [dreg:$0x0];
	s2 =	stileid.u32  }
0x5e: {  	s1 =	rddreg [dreg:$0x1];
	p0 =	sne.s32 s2, $0x0  }
0x5f: {  	s3 =	rddreg [dreg:$0x2];
	[bflag:$0x3] =	sbarrier.arrive $0xFFFF;
	s2 =	simm.s32 @!p0 $0x1C02  }
0x60: {  	[timem:s3], [sflag:s2] =	dma.local @!p0 [hbm:s0], s1  }
0x61: {  	s0 =	simm.s32 @!p0 $0x2  }
0x62: {  	_ =	swait.ge @!p0 [sflag:s0], s1  }
0x63: {  	s1 =	ssub.s32 @!p0 $0x0, s1;
	[sflag:s0] =	ssyncset.done @!p0 $0x0  }
0x64: {  	[sflag:s0] =	ssyncadd.s32 @!p0 s1  }
0x65: {  	[bflag:$0x3] =	sbarrier.arrive $0xFFFF  }
0x66: {  	_ =	shalt  }

</sc_bundles>
